<compile_context>
chip_gen: v7x
topology: tpu7x:2x2x1
jax: 0.10.2.dev20260603
libtpu: 0.0.44.dev20260713+nightly
codegen_flags: <defaults>
</compile_context>

<pallas_src>
import jax
import jax.numpy as jnp
from jax.experimental import pallas as pl
from jax.experimental.pallas import tpu as pltpu


def _node_kernel(Tf, Trow_t, adj_t, adjdiag, X, Z, w1, b1, p1, p2, d2_out,
                 acc, hw):
    j = pl.program_id(0)
    nj = pl.num_programs(0)
    BJ = adj_t.shape[1]

    @pl.when(j == 0)
    def _init():
        hw[...] = jnp.dot(X[...], w1[...], preferred_element_type=jnp.float32)
        acc[...] = jnp.zeros_like(acc)

    d1 = jax.lax.dot_general(p1[...], Z[...], (((1,), (1,)), ((), ())),
                             preferred_element_type=jnp.float32)
    Trow_f = Trow_t[...].astype(jnp.float32)
    Wr = (Trow_f * d1).astype(jnp.bfloat16)
    mult = jax.lax.dot_general(Tf[...], Wr, (((1,), (1,)), ((), ())),
                               preferred_element_type=jnp.float32)

    P = mult * adj_t[...]
    mdiag = jnp.sum(Trow_f * Trow_f * d1, axis=1)
    adjd = adjdiag[0, pl.ds(j * BJ, BJ)]
    corr = adjd * (1.0 - mdiag)
    inv = 1.0 / (jnp.sum(P, axis=0) + corr + 1e-10)
    V = hw[pl.ds(j * BJ, BJ), :] * inv[:, None]
    acc[...] += jnp.dot(P, V, preferred_element_type=jnp.float32)
    acc[pl.ds(j * BJ, BJ), :] += corr[:, None] * V

    @pl.when(j == nj - 1)
    def _fin():
        Xv = jnp.maximum(acc[...] + b1[...], 0.0)
        d2_out[...] = jax.lax.dot_general(
            Xv, p2[...], (((1,), (1,)), ((), ())),
            preferred_element_type=jnp.float32)


def _edge_kernel(Tf, Tcol_t, adj_t, adjdiag, Z, w2, b2, d2, o_ref, acc):
    j = pl.program_id(0)
    nj = pl.num_programs(0)
    BJ = adj_t.shape[1]

    @pl.when(j == 0)
    def _init():
        acc[...] = jnp.zeros_like(acc)

    Tcol_f = Tcol_t[...].astype(jnp.float32)
    W = (Tcol_f * d2[...]).astype(jnp.bfloat16)
    mult = jax.lax.dot_general(Tf[...], W, (((0,), (0,)), ((), ())),
                               preferred_element_type=jnp.float32)

    P = mult * adj_t[...]
    mdiag = jnp.sum(Tcol_f * Tcol_f * d2[...], axis=0)
    adjd = adjdiag[0, pl.ds(j * BJ, BJ)]
    corr = adjd * (1.0 - mdiag)
    inv = 1.0 / (jnp.sum(P, axis=0) + corr + 1e-10)

    Ze_t = jnp.maximum(Z[pl.ds(j * BJ, BJ), :], 0.0)
    HW2_t = jnp.dot(Ze_t, w2[...], preferred_element_type=jnp.float32)
    V = HW2_t * inv[:, None]
    acc[...] += jnp.dot(P, V, preferred_element_type=jnp.float32)
    acc[pl.ds(j * BJ, BJ), :] += corr[:, None] * V

    @pl.when(j == nj - 1)
    def _fin():
        out2 = acc[...] + b2[...]
        m = jnp.max(out2, axis=0, keepdims=True)
        sh = out2 - m
        lse = jnp.log(jnp.sum(jnp.exp(sh), axis=0, keepdims=True))
        o_ref[...] = sh - lse


def kernel(X, Z, adj_e, adj_v, T, w1, b1, p1, w2, b2, p2):
    N, E = T.shape
    NHID = w1.shape[1]
    NCLASS = w2.shape[1]
    T_bf = T.astype(jnp.bfloat16)
    adj_e_diag = jnp.diagonal(adj_e).reshape(1, E)
    adj_v_diag = jnp.diagonal(adj_v).reshape(1, N)

    BJ1 = 256
    nj1 = N // BJ1
    d2 = pl.pallas_call(
        _node_kernel,
        grid=(nj1,),
        in_specs=[
            pl.BlockSpec((N, E), lambda j: (0, 0)),
            pl.BlockSpec((BJ1, E), lambda j: (j, 0)),
            pl.BlockSpec((N, BJ1), lambda j: (0, j)),
            pl.BlockSpec((1, N), lambda j: (0, 0)),
            pl.BlockSpec((N, X.shape[1]), lambda j: (0, 0)),
            pl.BlockSpec((E, Z.shape[1]), lambda j: (0, 0)),
            pl.BlockSpec(w1.shape, lambda j: (0, 0)),
            pl.BlockSpec((1, NHID), lambda j: (0, 0)),
            pl.BlockSpec(p1.shape, lambda j: (0, 0)),
            pl.BlockSpec(p2.shape, lambda j: (0, 0)),
        ],
        out_specs=pl.BlockSpec((N, 1), lambda j: (0, 0)),
        out_shape=jax.ShapeDtypeStruct((N, 1), jnp.float32),
        scratch_shapes=[
            pltpu.VMEM((N, NHID), jnp.float32),
            pltpu.VMEM((N, NHID), jnp.float32),
        ],
        compiler_params=pltpu.CompilerParams(
            dimension_semantics=("arbitrary",)),
    )(T_bf, T_bf, adj_v, adj_v_diag, X, Z, w1, b1.reshape(1, NHID), p1, p2)

    BJ2 = 512
    nj2 = E // BJ2
    out = pl.pallas_call(
        _edge_kernel,
        grid=(nj2,),
        in_specs=[
            pl.BlockSpec((N, E), lambda j: (0, 0)),
            pl.BlockSpec((N, BJ2), lambda j: (0, j)),
            pl.BlockSpec((E, BJ2), lambda j: (0, j)),
            pl.BlockSpec((1, E), lambda j: (0, 0)),
            pl.BlockSpec((E, Z.shape[1]), lambda j: (0, 0)),
            pl.BlockSpec(w2.shape, lambda j: (0, 0)),
            pl.BlockSpec((1, NCLASS), lambda j: (0, 0)),
            pl.BlockSpec((N, 1), lambda j: (0, 0)),
        ],
        out_specs=pl.BlockSpec((E, NCLASS), lambda j: (0, 0)),
        out_shape=jax.ShapeDtypeStruct((E, NCLASS), jnp.float32),
        scratch_shapes=[pltpu.VMEM((E, NCLASS), jnp.float32)],
        compiler_params=pltpu.CompilerParams(
            dimension_semantics=("arbitrary",)),
    )(T_bf, T_bf, adj_e, adj_e_diag, Z, w2, b2.reshape(1, NCLASS), d2)
    return out

# --- scband reference (transcript-rebuilt; emitter-appended) ---
"""Pipeline reference for scband-gcn-27230092657223 (READ-ONLY COPY).

The authoritative reference and input builder live on the scoring server;
editing this copy changes nothing except your own understanding.
"""

import jax, jax.numpy as jnp
import numpy as np

N, E = 1024, 4096
NFEAT_V, NFEAT_E, NHID, NCLASS = 128, 16, 64, 8

def setup_inputs(seed: int = 0):
    key = jax.random.key(seed)
    ks = jax.random.split(key, 12)
    X = jax.random.normal(ks[0], (N, NFEAT_V), dtype=jnp.float32)
    Z = jax.random.normal(ks[1], (E, NFEAT_E), dtype=jnp.float32)
    adj_v = jax.random.uniform(ks[2], (N, N), dtype=jnp.float32)
    adj_e = jax.random.uniform(ks[3], (E, E), dtype=jnp.float32)
    T = jax.random.uniform(ks[4], (N, E), dtype=jnp.float32)
    w1 = jax.random.normal(ks[5], (NFEAT_V, NHID), dtype=jnp.float32) * 0.05
    b1 = jnp.zeros((NHID,), dtype=jnp.float32)
    p1 = jax.random.normal(ks[6], (1, NFEAT_E), dtype=jnp.float32)
    w2 = jax.random.normal(ks[7], (NFEAT_E, NCLASS), dtype=jnp.float32) * 0.05
    b2 = jnp.zeros((NCLASS,), dtype=jnp.float32)
    p2 = jax.random.normal(ks[8], (1, NHID), dtype=jnp.float32)
    return {"X": X, "Z": Z, "adj_e": adj_e, "adj_v": adj_v, "T": T,
            "w1": w1, "b1": b1, "p1": p1, "w2": w2, "b2": b2, "p2": p2}

def _node_layer(H_v, H_e, adj_v, T, weight, bias, p):
    # diag((H_e @ p.T)) scaling of incidence columns, then T diag T^T
    d = (H_e @ p.T)[:, 0]                      # [E]
    multiplier1 = (T * d[None, :]) @ T.T       # [N, N]
    mask1 = jnp.eye(multiplier1.shape[0], dtype=H_v.dtype)
    M1 = mask1 * jnp.ones((multiplier1.shape[0],), dtype=H_v.dtype) + (1.0 - mask1) * multiplier1
    adjusted_A = M1 * adj_v
    norm = adjusted_A * (1.0 / (adjusted_A.sum(axis=0) + 1e-10))[None, :]
    out = norm @ (H_v @ weight) + bias
    return out, H_e

def _edge_layer(H_v, H_e, adj_e, T, weight, bias, p):
    d = (H_v @ p.T)[:, 0]                      # [N]
    multiplier2 = (T.T * d[None, :]) @ T       # [E, E]
    mask2 = jnp.eye(multiplier2.shape[0], dtype=H_e.dtype)
    M3 = mask2 * jnp.ones((multiplier2.shape[0],), dtype=H_e.dtype) + (1.0 - mask2) * multiplier2
    adjusted_A = M3 * adj_e
    norm = adjusted_A * (1.0 / (adjusted_A.sum(axis=0) + 1e-10))[None, :]
    out = norm @ (H_e @ weight) + bias
    return H_v, out

def reference(X, Z, adj_e, adj_v, T, w1, b1, p1, w2, b2, p2):
    Xv, Ze = _node_layer(X, Z, adj_v, T, w1, b1, p1)
    Xv = jax.nn.relu(Xv)
    Ze = jax.nn.relu(Ze)
    # dropout is identity in eval mode
    Xv2, Ze2 = _edge_layer(Xv, Ze, adj_e, T, w2, b2, p2)
    return jax.nn.log_softmax(Ze2, axis=0)

if __name__ == "__main__":
    import jax
    _d = setup_inputs()
    print(jax.jit(kernel)(*tuple(_d.values())))

</pallas_src>

<mosaic_0001>
module attributes {stable_mosaic.version = 14 : i64} {
  func.func @_node_kernel(%arg0: i32, %arg1: memref<1024x4096xbf16, #tpu.memory_space<vmem>>, %arg2: memref<256x4096xbf16, #tpu.memory_space<vmem>>, %arg3: memref<1024x256xf32, #tpu.memory_space<vmem>>, %arg4: memref<1x1024xf32, #tpu.memory_space<vmem>>, %arg5: memref<1024x128xf32, #tpu.memory_space<vmem>>, %arg6: memref<4096x16xf32, #tpu.memory_space<vmem>>, %arg7: memref<128x64xf32, #tpu.memory_space<vmem>>, %arg8: memref<1x64xf32, #tpu.memory_space<vmem>>, %arg9: memref<1x16xf32, #tpu.memory_space<vmem>>, %arg10: memref<1x64xf32, #tpu.memory_space<vmem>>, %arg11: memref<1024x1xf32, #tpu.memory_space<vmem>>, %arg12: memref<1024x64xf32, #tpu.memory_space<vmem>>, %arg13: memref<1024x64xf32, #tpu.memory_space<vmem>>) attributes {dimension_semantics = [#tpu.dimension_semantics<arbitrary>], iteration_bounds = array<i64: 4>, scalar_prefetch = 0 : i64, scratch_operands = 2 : i64, tpu.core_type = #tpu.core_type<tc>, window_params = [{pipeline_mode = #tpu.pipeline_mode<synchronous>, transform_indices = @transform_0, window_bounds = array<i64: 1024, 4096>}, {transform_indices = @transform_1, window_bounds = array<i64: 256, 4096>}, {transform_indices = @transform_2, window_bounds = array<i64: 1024, 256>}, {pipeline_mode = #tpu.pipeline_mode<synchronous>, transform_indices = @transform_3, window_bounds = array<i64: 1, 1024>}, {pipeline_mode = #tpu.pipeline_mode<synchronous>, transform_indices = @transform_4, window_bounds = array<i64: 1024, 128>}, {pipeline_mode = #tpu.pipeline_mode<synchronous>, transform_indices = @transform_5, window_bounds = array<i64: 4096, 16>}, {pipeline_mode = #tpu.pipeline_mode<synchronous>, transform_indices = @transform_6, window_bounds = array<i64: 128, 64>}, {pipeline_mode = #tpu.pipeline_mode<synchronous>, transform_indices = @transform_7, window_bounds = array<i64: 1, 64>}, {pipeline_mode = #tpu.pipeline_mode<synchronous>, transform_indices = @transform_8, window_bounds = array<i64: 1, 16>}, {pipeline_mode = #tpu.pipeline_mode<synchronous>, transform_indices = @transform_9, window_bounds = array<i64: 1, 64>}, {pipeline_mode = #tpu.pipeline_mode<synchronous>, transform_indices = @transform_10, window_bounds = array<i64: 1024, 1>}]} {
    %eq3A = arith.constant 0 : i32
    %eq3A_0 = arith.cmpi eq, %arg0, %eq3A : i32
    %convert_element_type3A = arith.extui %eq3A_0 : i1 to i32
    %cond3A = arith.constant 0 : i32
    %cond3A_1 = arith.cmpi ne, %convert_element_type3A, %cond3A : i32
    scf.if %cond3A_1 {
      %get3A_75 = arith.constant 0 : index
      %get3A_76 = arith.constant 0 : index
      %get3A_77 = vector.load %arg5[%get3A_75, %get3A_76] : memref<1024x128xf32, #tpu.memory_space<vmem>>, vector<1024x128xf32>
      %get3A_78 = arith.constant 0 : index
      %get3A_79 = arith.constant 0 : index
      %get3A_80 = vector.load %arg7[%get3A_78, %get3A_79] : memref<128x64xf32, #tpu.memory_space<vmem>>, vector<128x64xf32>
      %dot_general3A_81 = arith.constant dense<0.000000e+00> : vector<1024x64xf32>
      %dot_general3A_82 = tpu.matmul %get3A_77, %get3A_80, %dot_general3A_81 {dimension_numbers = #tpu.dot_dimension_numbers<[1], [0], [0], [1], [0, 0, 1, 1], [], []>, transpose_lhs_hint = false} : vector<1024x128xf32>, vector<128x64xf32>, vector<1024x64xf32> -> vector<1024x64xf32>
      %swap3A_83 = arith.constant 0 : index
      %swap3A_84 = arith.constant 0 : index
      %swap3A_85 = vector.load %arg13[%swap3A_83, %swap3A_84] : memref<1024x64xf32, #tpu.memory_space<vmem>>, vector<1024x64xf32>
      tpu.vector_store %arg13[%swap3A_83, %swap3A_84], %dot_general3A_82 {strides = array<i32>} : memref<1024x64xf32, #tpu.memory_space<vmem>>, vector<1024x64xf32>,
      %broadcast_in_dim3A_86 = arith.constant 0.000000e+00 : f32
      %broadcast_in_dim3A_87 = vector.broadcast %broadcast_in_dim3A_86 : f32 to vector<1024x64xf32>
      %swap3A_88 = arith.constant 0 : index
      %swap3A_89 = arith.constant 0 : index
      %swap3A_90 = vector.load %arg12[%swap3A_88, %swap3A_89] : memref<1024x64xf32, #tpu.memory_space<vmem>>, vector<1024x64xf32>
      tpu.vector_store %arg12[%swap3A_88, %swap3A_89], %broadcast_in_dim3A_87 {strides = array<i32>} : memref<1024x64xf32, #tpu.memory_space<vmem>>, vector<1024x64xf32>,
    } else {
    }
    %get3A = arith.constant 0 : index
    %get3A_2 = arith.constant 0 : index
    %get3A_3 = vector.load %arg9[%get3A, %get3A_2] : memref<1x16xf32, #tpu.memory_space<vmem>>, vector<1x16xf32>
    %get3A_4 = arith.constant 0 : index
    %get3A_5 = arith.constant 0 : index
    %get3A_6 = vector.load %arg6[%get3A_4, %get3A_5] : memref<4096x16xf32, #tpu.memory_space<vmem>>, vector<4096x16xf32>
    %dot_general3A = arith.constant dense<0.000000e+00> : vector<1x4096xf32>
    %dot_general3A_7 = tpu.matmul %get3A_3, %get3A_6, %dot_general3A {dimension_numbers = #tpu.dot_dimension_numbers<[1], [1], [0], [0], [0, 0, 1, 0], [], []>, transpose_lhs_hint = false} : vector<1x16xf32>, vector<4096x16xf32>, vector<1x4096xf32> -> vector<1x4096xf32>
    %get3A_8 = arith.constant 0 : index
    %get3A_9 = arith.constant 0 : index
    %get3A_10 = vector.load %arg2[%get3A_8, %get3A_9] : memref<256x4096xbf16, #tpu.memory_space<vmem>>, vector<256x4096xbf16>
    %convert_element_type3A_11 = arith.extf %get3A_10 : vector<256x4096xbf16> to vector<256x4096xf32>
    %mul3A = vector.broadcast %dot_general3A_7 : vector<1x4096xf32> to vector<256x4096xf32>
    %mul3A_12 = arith.mulf %convert_element_type3A_11, %mul3A : vector<256x4096xf32>
    %convert_element_type3A_13 = arith.truncf %mul3A_12 : vector<256x4096xf32> to vector<256x4096xbf16>
    %get3A_14 = arith.constant 0 : index
    %get3A_15 = arith.constant 0 : index
    %get3A_16 = vector.load %arg1[%get3A_14, %get3A_15] : memref<1024x4096xbf16, #tpu.memory_space<vmem>>, vector<1024x4096xbf16>
    %dot_general3A_17 = arith.constant dense<0.000000e+00> : vector<1024x256xf32>
    %dot_general3A_18 = tpu.matmul %get3A_16, %convert_element_type3A_13, %dot_general3A_17 {dimension_numbers = #tpu.dot_dimension_numbers<[1], [1], [0], [0], [0, 0, 1, 0], [], []>, transpose_lhs_hint = false} : vector<1024x4096xbf16>, vector<256x4096xbf16>, vector<1024x256xf32> -> vector<1024x256xf32>
    %get3A_19 = arith.constant 0 : index
    %get3A_20 = arith.constant 0 : index
    %get3A_21 = vector.load %arg3[%get3A_19, %get3A_20] : memref<1024x256xf32, #tpu.memory_space<vmem>>, vector<1024x256xf32>
    %mul3A_22 = arith.mulf %dot_general3A_18, %get3A_21 : vector<1024x256xf32>
    %mul3A_23 = arith.mulf %convert_element_type3A_11, %convert_element_type3A_11 : vector<256x4096xf32>
    %mul3A_24 = vector.broadcast %dot_general3A_7 : vector<1x4096xf32> to vector<256x4096xf32>
    %mul3A_25 = arith.mulf %mul3A_23, %mul3A_24 : vector<256x4096xf32>
    %reduce_sum3A = arith.constant dense<0.000000e+00> : vector<256xf32>
    %reduce_sum3A_26 = vector.multi_reduction <add>, %mul3A_25, %reduce_sum3A [1] : vector<256x4096xf32> to vector<256xf32>
    %mul3A_27 = arith.constant 256 : i32
    %mul3A_28 = arith.muli %arg0, %mul3A_27 : i32
    %get3A_29 = arith.constant 0 : index
    %get3A_30 = arith.index_cast %mul3A_28 : i32 to index
    %get3A_31 = vector.load %arg4[%get3A_29, %get3A_30] : memref<1x1024xf32, #tpu.memory_space<vmem>>, vector<1x256xf32>
    %get3A_32 = vector.shape_cast %get3A_31 : vector<1x256xf32> to vector<256xf32>
    %sub3A = arith.constant 1.000000e+00 : f32
    %sub3A_33 = vector.broadcast %sub3A : f32 to vector<256xf32>
    %sub3A_34 = arith.subf %sub3A_33, %reduce_sum3A_26 : vector<256xf32>
    %mul3A_35 = arith.mulf %get3A_32, %sub3A_34 : vector<256xf32>
    %reduce_sum3A_36 = arith.constant dense<0.000000e+00> : vector<256xf32>
    %reduce_sum3A_37 = vector.multi_reduction <add>, %mul3A_22, %reduce_sum3A_36 [0] : vector<1024x256xf32> to vector<256xf32>
    %add3A = arith.addf %reduce_sum3A_37, %mul3A_35 : vector<256xf32>
    %add3A_38 = arith.constant 1.000000e-10 : f32
    %add3A_39 = vector.broadcast %add3A_38 : f32 to vector<256xf32>
    %add3A_40 = arith.addf %add3A, %add3A_39 : vector<256xf32>
    %div3A = arith.constant 1.000000e+00 : f32
    %div3A_41 = vector.broadcast %div3A : f32 to vector<256xf32>
    %div3A_42 = arith.divf %div3A_41, %add3A_40 : vector<256xf32>
    %mul3A_43 = arith.constant 256 : i32
    %mul3A_44 = arith.muli %arg0, %mul3A_43 : i32
    %get3A_45 = arith.index_cast %mul3A_44 : i32 to index
    %get3A_46 = arith.constant 0 : index
    %get3A_47 = vector.load %arg13[%get3A_45, %get3A_46] : memref<1024x64xf32, #tpu.memory_space<vmem>>, vector<256x64xf32>
    %broadcast_in_dim3A = vector.shape_cast %div3A_42 : vector<256xf32> to vector<256x1xf32>
    %mul3A_48 = vector.broadcast %broadcast_in_dim3A : vector<256x1xf32> to vector<256x64xf32>
    %mul3A_49 = arith.mulf %get3A_47, %mul3A_48 : vector<256x64xf32>
    %get3A_50 = arith.constant 0 : index
    %get3A_51 = arith.constant 0 : index
    %get3A_52 = vector.load %arg12[%get3A_50, %get3A_51] : memref<1024x64xf32, #tpu.memory_space<vmem>>, vector<1024x64xf32>
    %dot_general3A_53 = arith.constant dense<0.000000e+00> : vector<1024x64xf32>
    %dot_general3A_54 = tpu.matmul %mul3A_22, %mul3A_49, %dot_general3A_53 {dimension_numbers = #tpu.dot_dimension_numbers<[1], [0], [0], [1], [0, 0, 1, 1], [], []>, transpose_lhs_hint = false} : vector<1024x256xf32>, vector<256x64xf32>, vector<1024x64xf32> -> vector<1024x64xf32>
    %add3A_55 = arith.addf %get3A_52, %dot_general3A_54 : vector<1024x64xf32>
    %swap3A = arith.constant 0 : index
    %swap3A_56 = arith.constant 0 : index
    %swap3A_57 = vector.load %arg12[%swap3A, %swap3A_56] : memref<1024x64xf32, #tpu.memory_space<vmem>>, vector<1024x64xf32>
    tpu.vector_store %arg12[%swap3A, %swap3A_56], %add3A_55 {strides = array<i32>} : memref<1024x64xf32, #tpu.memory_space<vmem>>, vector<1024x64xf32>,
    %mul3A_58 = arith.constant 256 : i32
    %mul3A_59 = arith.muli %arg0, %mul3A_58 : i32
    %get3A_60 = arith.index_cast %mul3A_59 : i32 to index
    %get3A_61 = arith.constant 0 : index
    %get3A_62 = vector.load %arg12[%get3A_60, %get3A_61] : memref<1024x64xf32, #tpu.memory_space<vmem>>, vector<256x64xf32>
    %broadcast_in_dim3A_63 = vector.shape_cast %mul3A_35 : vector<256xf32> to vector<256x1xf32>
    %mul3A_64 = vector.broadcast %broadcast_in_dim3A_63 : vector<256x1xf32> to vector<256x64xf32>
    %mul3A_65 = arith.mulf %mul3A_64, %mul3A_49 : vector<256x64xf32>
    %add3A_66 = arith.addf %get3A_62, %mul3A_65 : vector<256x64xf32>
    %swap3A_67 = arith.index_cast %mul3A_59 : i32 to index
    %swap3A_68 = arith.constant 0 : index
    %swap3A_69 = vector.load %arg12[%swap3A_67, %swap3A_68] : memref<1024x64xf32, #tpu.memory_space<vmem>>, vector<256x64xf32>
    tpu.vector_store %arg12[%swap3A_67, %swap3A_68], %add3A_66 {strides = array<i32>} : memref<1024x64xf32, #tpu.memory_space<vmem>>, vector<256x64xf32>,
    %eq3A_70 = arith.constant 3 : i32
    %eq3A_71 = arith.cmpi eq, %arg0, %eq3A_70 : i32
    %convert_element_type3A_72 = arith.extui %eq3A_71 : i1 to i32
    %cond3A_73 = arith.constant 0 : i32
    %cond3A_74 = arith.cmpi ne, %convert_element_type3A_72, %cond3A_73 : i32
    scf.if %cond3A_74 {
      %get3A_75 = arith.constant 0 : index
      %get3A_76 = arith.constant 0 : index
      %get3A_77 = vector.load %arg12[%get3A_75, %get3A_76] : memref<1024x64xf32, #tpu.memory_space<vmem>>, vector<1024x64xf32>
      %get3A_78 = arith.constant 0 : index
      %get3A_79 = arith.constant 0 : index
      %get3A_80 = vector.load %arg8[%get3A_78, %get3A_79] : memref<1x64xf32, #tpu.memory_space<vmem>>, vector<1x64xf32>
      %add3A_81 = vector.broadcast %get3A_80 : vector<1x64xf32> to vector<1024x64xf32>
      %add3A_82 = arith.addf %get3A_77, %add3A_81 : vector<1024x64xf32>
      %max3A = arith.constant 0.000000e+00 : f32
      %max3A_83 = vector.broadcast %max3A : f32 to vector<1024x64xf32>
      %max3A_84 = arith.maximumf %add3A_82, %max3A_83 : vector<1024x64xf32>
      %get3A_85 = arith.constant 0 : index
      %get3A_86 = arith.constant 0 : index
      %get3A_87 = vector.load %arg10[%get3A_85, %get3A_86] : memref<1x64xf32, #tpu.memory_space<vmem>>, vector<1x64xf32>
      %dot_general3A_88 = arith.constant dense<0.000000e+00> : vector<1024x1xf32>
      %dot_general3A_89 = tpu.matmul %max3A_84, %get3A_87, %dot_general3A_88 {dimension_numbers = #tpu.dot_dimension_numbers<[1], [1], [0], [0], [0, 0, 1, 0], [], []>, transpose_lhs_hint = false} : vector<1024x64xf32>, vector<1x64xf32>, vector<1024x1xf32> -> vector<1024x1xf32>
      %swap3A_90 = arith.constant 0 : index
      %swap3A_91 = arith.constant 0 : index
      %swap3A_92 = vector.load %arg11[%swap3A_90, %swap3A_91] : memref<1024x1xf32, #tpu.memory_space<vmem>>, vector<1024x1xf32>
      tpu.vector_store %arg11[%swap3A_90, %swap3A_91], %dot_general3A_89 {strides = array<i32>} : memref<1024x1xf32, #tpu.memory_space<vmem>>, vector<1024x1xf32>,
    } else {
    }
    return
  }
  func.func @transform_0(%arg0: i32) -> (i32, i32) {
    %c0_i32 = arith.constant 0 : i32
    %c0_i32_0 = arith.constant 0 : i32
    %c0_i32_1 = arith.constant 0 : i32
    return %c0_i32, %c0_i32_0 : i32, i32
  }
  func.func @transform_1(%arg0: i32) -> (i32, i32) {
    %c0_i32 = arith.constant 0 : i32
    %c0_i32_0 = arith.constant 0 : i32
    return %arg0, %c0_i32 : i32, i32
  }
  func.func @transform_2(%arg0: i32) -> (i32, i32) {
    %c0_i32 = arith.constant 0 : i32
    %c0_i32_0 = arith.constant 0 : i32
    return %c0_i32, %arg0 : i32, i32
  }
  func.func @transform_3(%arg0: i32) -> (i32, i32) {
    %c0_i32 = arith.constant 0 : i32
    %c0_i32_0 = arith.constant 0 : i32
    %c0_i32_1 = arith.constant 0 : i32
    return %c0_i32, %c0_i32_0 : i32, i32
  }
  func.func @transform_4(%arg0: i32) -> (i32, i32) {
    %c0_i32 = arith.constant 0 : i32
    %c0_i32_0 = arith.constant 0 : i32
    %c0_i32_1 = arith.constant 0 : i32
    return %c0_i32, %c0_i32_0 : i32, i32
  }
  func.func @transform_5(%arg0: i32) -> (i32, i32) {
    %c0_i32 = arith.constant 0 : i32
    %c0_i32_0 = arith.constant 0 : i32
    %c0_i32_1 = arith.constant 0 : i32
    return %c0_i32, %c0_i32_0 : i32, i32
  }
  func.func @transform_6(%arg0: i32) -> (i32, i32) {
    %c0_i32 = arith.constant 0 : i32
    %c0_i32_0 = arith.constant 0 : i32
    %c0_i32_1 = arith.constant 0 : i32
    return %c0_i32, %c0_i32_0 : i32, i32
  }
  func.func @transform_7(%arg0: i32) -> (i32, i32) {
    %c0_i32 = arith.constant 0 : i32
    %c0_i32_0 = arith.constant 0 : i32
    %c0_i32_1 = arith.constant 0 : i32
    return %c0_i32, %c0_i32_0 : i32, i32
  }
  func.func @transform_8(%arg0: i32) -> (i32, i32) {
    %c0_i32 = arith.constant 0 : i32
    %c0_i32_0 = arith.constant 0 : i32
    %c0_i32_1 = arith.constant 0 : i32
    return %c0_i32, %c0_i32_0 : i32, i32
  }
  func.func @transform_9(%arg0: i32) -> (i32, i32) {
    %c0_i32 = arith.constant 0 : i32
    %c0_i32_0 = arith.constant 0 : i32
    %c0_i32_1 = arith.constant 0 : i32
    return %c0_i32, %c0_i32_0 : i32, i32
  }
  func.func @transform_10(%arg0: i32) -> (i32, i32) {
    %c0_i32 = arith.constant 0 : i32
    %c0_i32_0 = arith.constant 0 : i32
    %c0_i32_1 = arith.constant 0 : i32
    return %c0_i32, %c0_i32_0 : i32, i32
  }
}

module attributes {stable_mosaic.version = 14 : i64} {
  func.func @_edge_kernel(%arg0: i32, %arg1: memref<1024x4096xbf16, #tpu.memory_space<vmem>>, %arg2: memref<1024x512xbf16, #tpu.memory_space<vmem>>, %arg3: memref<4096x512xf32, #tpu.memory_space<vmem>>, %arg4: memref<1x4096xf32, #tpu.memory_space<vmem>>, %arg5: memref<4096x16xf32, #tpu.memory_space<vmem>>, %arg6: memref<16x8xf32, #tpu.memory_space<vmem>>, %arg7: memref<1x8xf32, #tpu.memory_space<vmem>>, %arg8: memref<1024x1xf32, #tpu.memory_space<vmem>>, %arg9: memref<4096x8xf32, #tpu.memory_space<vmem>>, %arg10: memref<4096x8xf32, #tpu.memory_space<vmem>>) attributes {dimension_semantics = [#tpu.dimension_semantics<arbitrary>], iteration_bounds = array<i64: 8>, scalar_prefetch = 0 : i64, scratch_operands = 1 : i64, tpu.core_type = #tpu.core_type<tc>, window_params = [{pipeline_mode = #tpu.pipeline_mode<synchronous>, transform_indices = @transform_0, window_bounds = array<i64: 1024, 4096>}, {transform_indices = @transform_1, window_bounds = array<i64: 1024, 512>}, {transform_indices = @transform_2, window_bounds = array<i64: 4096, 512>}, {pipeline_mode = #tpu.pipeline_mode<synchronous>, transform_indices = @transform_3, window_bounds = array<i64: 1, 4096>}, {pipeline_mode = #tpu.pipeline_mode<synchronous>, transform_indices = @transform_4, window_bounds = array<i64: 4096, 16>}, {pipeline_mode = #tpu.pipeline_mode<synchronous>, transform_indices = @transform_5, window_bounds = array<i64: 16, 8>}, {pipeline_mode = #tpu.pipeline_mode<synchronous>, transform_indices = @transform_6, window_bounds = array<i64: 1, 8>}, {pipeline_mode = #tpu.pipeline_mode<synchronous>, transform_indices = @transform_7, window_bounds = array<i64: 1024, 1>}, {pipeline_mode = #tpu.pipeline_mode<synchronous>, transform_indices = @transform_8, window_bounds = array<i64: 4096, 8>}]} {
    %eq3A = arith.constant 0 : i32
    %eq3A_0 = arith.cmpi eq, %arg0, %eq3A : i32
    %convert_element_type3A = arith.extui %eq3A_0 : i1 to i32
    %cond3A = arith.constant 0 : i32
    %cond3A_1 = arith.cmpi ne, %convert_element_type3A, %cond3A : i32
    scf.if %cond3A_1 {
      %broadcast_in_dim3A_80 = arith.constant 0.000000e+00 : f32
      %broadcast_in_dim3A_81 = vector.broadcast %broadcast_in_dim3A_80 : f32 to vector<4096x8xf32>
      %swap3A_82 = arith.constant 0 : index
      %swap3A_83 = arith.constant 0 : index
      %swap3A_84 = vector.load %arg10[%swap3A_82, %swap3A_83] : memref<4096x8xf32, #tpu.memory_space<vmem>>, vector<4096x8xf32>
      tpu.vector_store %arg10[%swap3A_82, %swap3A_83], %broadcast_in_dim3A_81 {strides = array<i32>} : memref<4096x8xf32, #tpu.memory_space<vmem>>, vector<4096x8xf32>,
    } else {
    }
    %get3A = arith.constant 0 : index
    %get3A_2 = arith.constant 0 : index
    %get3A_3 = vector.load %arg2[%get3A, %get3A_2] : memref<1024x512xbf16, #tpu.memory_space<vmem>>, vector<1024x512xbf16>
    %convert_element_type3A_4 = arith.extf %get3A_3 : vector<1024x512xbf16> to vector<1024x512xf32>
    %get3A_5 = arith.constant 0 : index
    %get3A_6 = arith.constant 0 : index
    %get3A_7 = vector.load %arg8[%get3A_5, %get3A_6] : memref<1024x1xf32, #tpu.memory_space<vmem>>, vector<1024x1xf32>
    %mul3A = vector.broadcast %get3A_7 : vector<1024x1xf32> to vector<1024x512xf32>
    %mul3A_8 = arith.mulf %convert_element_type3A_4, %mul3A : vector<1024x512xf32>
    %convert_element_type3A_9 = arith.truncf %mul3A_8 : vector<1024x512xf32> to vector<1024x512xbf16>
    %get3A_10 = arith.constant 0 : index
    %get3A_11 = arith.constant 0 : index
    %get3A_12 = vector.load %arg1[%get3A_10, %get3A_11] : memref<1024x4096xbf16, #tpu.memory_space<vmem>>, vector<1024x4096xbf16>
    %dot_general3A = arith.constant dense<0.000000e+00> : vector<4096x512xf32>
    %dot_general3A_13 = tpu.matmul %get3A_12, %convert_element_type3A_9, %dot_general3A {dimension_numbers = #tpu.dot_dimension_numbers<[0], [0], [1], [1], [0, 1, 1, 1], [], []>, transpose_lhs_hint = false} : vector<1024x4096xbf16>, vector<1024x512xbf16>, vector<4096x512xf32> -> vector<4096x512xf32>
    %get3A_14 = arith.constant 0 : index
    %get3A_15 = arith.constant 0 : index
    %get3A_16 = vector.load %arg3[%get3A_14, %get3A_15] : memref<4096x512xf32, #tpu.memory_space<vmem>>, vector<4096x512xf32>
    %mul3A_17 = arith.mulf %dot_general3A_13, %get3A_16 : vector<4096x512xf32>
    %mul3A_18 = arith.mulf %convert_element_type3A_4, %convert_element_type3A_4 : vector<1024x512xf32>
    %get3A_19 = arith.constant 0 : index
    %get3A_20 = arith.constant 0 : index
    %get3A_21 = vector.load %arg8[%get3A_19, %get3A_20] : memref<1024x1xf32, #tpu.memory_space<vmem>>, vector<1024x1xf32>
    %mul3A_22 = vector.broadcast %get3A_21 : vector<1024x1xf32> to vector<1024x512xf32>
    %mul3A_23 = arith.mulf %mul3A_18, %mul3A_22 : vector<1024x512xf32>
    %reduce_sum3A = arith.constant dense<0.000000e+00> : vector<512xf32>
    %reduce_sum3A_24 = vector.multi_reduction <add>, %mul3A_23, %reduce_sum3A [0] : vector<1024x512xf32> to vector<512xf32>
    %mul3A_25 = arith.constant 512 : i32
    %mul3A_26 = arith.muli %arg0, %mul3A_25 : i32
    %get3A_27 = arith.constant 0 : index
    %get3A_28 = arith.index_cast %mul3A_26 : i32 to index
    %get3A_29 = vector.load %arg4[%get3A_27, %get3A_28] : memref<1x4096xf32, #tpu.memory_space<vmem>>, vector<1x512xf32>
    %get3A_30 = vector.shape_cast %get3A_29 : vector<1x512xf32> to vector<512xf32>
    %sub3A = arith.constant 1.000000e+00 : f32
    %sub3A_31 = vector.broadcast %sub3A : f32 to vector<512xf32>
    %sub3A_32 = arith.subf %sub3A_31, %reduce_sum3A_24 : vector<512xf32>
    %mul3A_33 = arith.mulf %get3A_30, %sub3A_32 : vector<512xf32>
    %reduce_sum3A_34 = arith.constant dense<0.000000e+00> : vector<512xf32>
    %reduce_sum3A_35 = vector.multi_reduction <add>, %mul3A_17, %reduce_sum3A_34 [0] : vector<4096x512xf32> to vector<512xf32>
    %add3A = arith.addf %reduce_sum3A_35, %mul3A_33 : vector<512xf32>
    %add3A_36 = arith.constant 1.000000e-10 : f32
    %add3A_37 = vector.broadcast %add3A_36 : f32 to vector<512xf32>
    %add3A_38 = arith.addf %add3A, %add3A_37 : vector<512xf32>
    %div3A = arith.constant 1.000000e+00 : f32
    %div3A_39 = vector.broadcast %div3A : f32 to vector<512xf32>
    %div3A_40 = arith.divf %div3A_39, %add3A_38 : vector<512xf32>
    %mul3A_41 = arith.constant 512 : i32
    %mul3A_42 = arith.muli %arg0, %mul3A_41 : i32
    %get3A_43 = arith.index_cast %mul3A_42 : i32 to index
    %get3A_44 = arith.constant 0 : index
    %get3A_45 = vector.load %arg5[%get3A_43, %get3A_44] : memref<4096x16xf32, #tpu.memory_space<vmem>>, vector<512x16xf32>
    %max3A = arith.constant 0.000000e+00 : f32
    %max3A_46 = vector.broadcast %max3A : f32 to vector<512x16xf32>
    %max3A_47 = arith.maximumf %get3A_45, %max3A_46 : vector<512x16xf32>
    %get3A_48 = arith.constant 0 : index
    %get3A_49 = arith.constant 0 : index
    %get3A_50 = vector.load %arg6[%get3A_48, %get3A_49] : memref<16x8xf32, #tpu.memory_space<vmem>>, vector<16x8xf32>
    %dot_general3A_51 = arith.constant dense<0.000000e+00> : vector<512x8xf32>
    %dot_general3A_52 = tpu.matmul %max3A_47, %get3A_50, %dot_general3A_51 {dimension_numbers = #tpu.dot_dimension_numbers<[1], [0], [0], [1], [0, 0, 1, 1], [], []>, transpose_lhs_hint = false} : vector<512x16xf32>, vector<16x8xf32>, vector<512x8xf32> -> vector<512x8xf32>
    %broadcast_in_dim3A = vector.shape_cast %div3A_40 : vector<512xf32> to vector<512x1xf32>
    %mul3A_53 = vector.broadcast %broadcast_in_dim3A : vector<512x1xf32> to vector<512x8xf32>
    %mul3A_54 = arith.mulf %dot_general3A_52, %mul3A_53 : vector<512x8xf32>
    %get3A_55 = arith.constant 0 : index
    %get3A_56 = arith.constant 0 : index
    %get3A_57 = vector.load %arg10[%get3A_55, %get3A_56] : memref<4096x8xf32, #tpu.memory_space<vmem>>, vector<4096x8xf32>
    %dot_general3A_58 = arith.constant dense<0.000000e+00> : vector<4096x8xf32>
    %dot_general3A_59 = tpu.matmul %mul3A_17, %mul3A_54, %dot_general3A_58 {dimension_numbers = #tpu.dot_dimension_numbers<[1], [0], [0], [1], [0, 0, 1, 1], [], []>, transpose_lhs_hint = false} : vector<4096x512xf32>, vector<512x8xf32>, vector<4096x8xf32> -> vector<4096x8xf32>
    %add3A_60 = arith.addf %get3A_57, %dot_general3A_59 : vector<4096x8xf32>
    %swap3A = arith.constant 0 : index
    %swap3A_61 = arith.constant 0 : index
    %swap3A_62 = vector.load %arg10[%swap3A, %swap3A_61] : memref<4096x8xf32, #tpu.memory_space<vmem>>, vector<4096x8xf32>
    tpu.vector_store %arg10[%swap3A, %swap3A_61], %add3A_60 {strides = array<i32>} : memref<4096x8xf32, #tpu.memory_space<vmem>>, vector<4096x8xf32>,
    %mul3A_63 = arith.constant 512 : i32
    %mul3A_64 = arith.muli %arg0, %mul3A_63 : i32
    %get3A_65 = arith.index_cast %mul3A_64 : i32 to index
    %get3A_66 = arith.constant 0 : index
    %get3A_67 = vector.load %arg10[%get3A_65, %get3A_66] : memref<4096x8xf32, #tpu.memory_space<vmem>>, vector<512x8xf32>
    %broadcast_in_dim3A_68 = vector.shape_cast %mul3A_33 : vector<512xf32> to vector<512x1xf32>
    %mul3A_69 = vector.broadcast %broadcast_in_dim3A_68 : vector<512x1xf32> to vector<512x8xf32>
    %mul3A_70 = arith.mulf %mul3A_69, %mul3A_54 : vector<512x8xf32>
    %add3A_71 = arith.addf %get3A_67, %mul3A_70 : vector<512x8xf32>
    %swap3A_72 = arith.index_cast %mul3A_64 : i32 to index
    %swap3A_73 = arith.constant 0 : index
    %swap3A_74 = vector.load %arg10[%swap3A_72, %swap3A_73] : memref<4096x8xf32, #tpu.memory_space<vmem>>, vector<512x8xf32>
    tpu.vector_store %arg10[%swap3A_72, %swap3A_73], %add3A_71 {strides = array<i32>} : memref<4096x8xf32, #tpu.memory_space<vmem>>, vector<512x8xf32>,
    %eq3A_75 = arith.constant 7 : i32
    %eq3A_76 = arith.cmpi eq, %arg0, %eq3A_75 : i32
    %convert_element_type3A_77 = arith.extui %eq3A_76 : i1 to i32
    %cond3A_78 = arith.constant 0 : i32
    %cond3A_79 = arith.cmpi ne, %convert_element_type3A_77, %cond3A_78 : i32
    scf.if %cond3A_79 {
      %get3A_80 = arith.constant 0 : index
      %get3A_81 = arith.constant 0 : index
      %get3A_82 = vector.load %arg10[%get3A_80, %get3A_81] : memref<4096x8xf32, #tpu.memory_space<vmem>>, vector<4096x8xf32>
      %get3A_83 = arith.constant 0 : index
      %get3A_84 = arith.constant 0 : index
      %get3A_85 = vector.load %arg7[%get3A_83, %get3A_84] : memref<1x8xf32, #tpu.memory_space<vmem>>, vector<1x8xf32>
      %add3A_86 = vector.broadcast %get3A_85 : vector<1x8xf32> to vector<4096x8xf32>
      %add3A_87 = arith.addf %get3A_82, %add3A_86 : vector<4096x8xf32>
      %reduce_max3A = arith.constant dense<0xFF800000> : vector<8xf32>
      %reduce_max3A_88 = vector.multi_reduction <maximumf>, %add3A_87, %reduce_max3A [0] : vector<4096x8xf32> to vector<8xf32>
      %broadcast_in_dim3A_89 = vector.shape_cast %reduce_max3A_88 : vector<8xf32> to vector<1x8xf32>
      %sub3A_90 = vector.broadcast %broadcast_in_dim3A_89 : vector<1x8xf32> to vector<4096x8xf32>
      %sub3A_91 = arith.subf %add3A_87, %sub3A_90 : vector<4096x8xf32>
      %exp3A = math.exp %sub3A_91 : vector<4096x8xf32>
      %reduce_sum3A_92 = arith.constant dense<0.000000e+00> : vector<8xf32>
      %reduce_sum3A_93 = vector.multi_reduction <add>, %exp3A, %reduce_sum3A_92 [0] : vector<4096x8xf32> to vector<8xf32>
      %broadcast_in_dim3A_94 = vector.shape_cast %reduce_sum3A_93 : vector<8xf32> to vector<1x8xf32>
      %log3A = math.log %broadcast_in_dim3A_94 : vector<1x8xf32>
      %sub3A_95 = vector.broadcast %log3A : vector<1x8xf32> to vector<4096x8xf32>
      %sub3A_96 = arith.subf %sub3A_91, %sub3A_95 : vector<4096x8xf32>
      %swap3A_97 = arith.constant 0 : index
      %swap3A_98 = arith.constant 0 : index
      %swap3A_99 = vector.load %arg9[%swap3A_97, %swap3A_98] : memref<4096x8xf32, #tpu.memory_space<vmem>>, vector<4096x8xf32>
      tpu.vector_store %arg9[%swap3A_97, %swap3A_98], %sub3A_96 {strides = array<i32>} : memref<4096x8xf32, #tpu.memory_space<vmem>>, vector<4096x8xf32>,
    } else {
    }
    return
  }
  func.func @transform_0(%arg0: i32) -> (i32, i32) {
    %c0_i32 = arith.constant 0 : i32
    %c0_i32_0 = arith.constant 0 : i32
    %c0_i32_1 = arith.constant 0 : i32
    return %c0_i32, %c0_i32_0 : i32, i32
  }
  func.func @transform_1(%arg0: i32) -> (i32, i32) {
    %c0_i32 = arith.constant 0 : i32
    %c0_i32_0 = arith.constant 0 : i32
    return %c0_i32, %arg0 : i32, i32
  }
  func.func @transform_2(%arg0: i32) -> (i32, i32) {
    %c0_i32 = arith.constant 0 : i32
    %c0_i32_0 = arith.constant 0 : i32
    return %c0_i32, %arg0 : i32, i32
  }
  func.func @transform_3(%arg0: i32) -> (i32, i32) {
    %c0_i32 = arith.constant 0 : i32
    %c0_i32_0 = arith.constant 0 : i32
    %c0_i32_1 = arith.constant 0 : i32
    return %c0_i32, %c0_i32_0 : i32, i32
  }
  func.func @transform_4(%arg0: i32) -> (i32, i32) {
    %c0_i32 = arith.constant 0 : i32
    %c0_i32_0 = arith.constant 0 : i32
    %c0_i32_1 = arith.constant 0 : i32
    return %c0_i32, %c0_i32_0 : i32, i32
  }
  func.func @transform_5(%arg0: i32) -> (i32, i32) {
    %c0_i32 = arith.constant 0 : i32
    %c0_i32_0 = arith.constant 0 : i32
    %c0_i32_1 = arith.constant 0 : i32
    return %c0_i32, %c0_i32_0 : i32, i32
  }
  func.func @transform_6(%arg0: i32) -> (i32, i32) {
    %c0_i32 = arith.constant 0 : i32
    %c0_i32_0 = arith.constant 0 : i32
    %c0_i32_1 = arith.constant 0 : i32
    return %c0_i32, %c0_i32_0 : i32, i32
  }
  func.func @transform_7(%arg0: i32) -> (i32, i32) {
    %c0_i32 = arith.constant 0 : i32
    %c0_i32_0 = arith.constant 0 : i32
    %c0_i32_1 = arith.constant 0 : i32
    return %c0_i32, %c0_i32_0 : i32, i32
  }
  func.func @transform_8(%arg0: i32) -> (i32, i32) {
    %c0_i32 = arith.constant 0 : i32
    %c0_i32_0 = arith.constant 0 : i32
    %c0_i32_1 = arith.constant 0 : i32
    return %c0_i32, %c0_i32_0 : i32, i32
  }
}

</mosaic_0001>

<sc_bundles>
// kernel: gather_offload_async_start
scs
__scs_entry_jumppad:
0x0: {  	(pc) =	sbr.rel $0x88, $3  }
0x1: {  	(tag) =	ssettag $0x0;
	lr =	simm.s32 $0x1  }
0x2: {  	[smem:$0x3F96] =	sst lr;
	_ =	strace $0xD0000000  }
0x3: {  	_ = 	snop  }
0x4: {  	_ = 	snop  }
0x5: {  	_ = 	snop  }
0x6: {  	_ = 	snop  }
0x7: {  	_ = 	snop  }
__scs_overlays_trampoline_lowered:
0x8: {  	[smem:$0x3FA5] =	sst s0  }
0x9: {  	[smem:$0x3FA6] =	sst s1  }
0xa: {  	[smem:$0x3FA7] =	sst s2  }
0xb: {  	[smem:$0x3FA8] =	sst s3  }
0xc: {  	[smem:$0x3FA9] =	sst s4  }
0xd: {  	[smem:$0x3FAA] =	sst s5  }
0xe: {  	[smem:$0x3FAB] =	sst s6  }
0xf: {  	[smem:$0x3FAC] =	sst s7  }
0x10: {  	[smem:$0x3FAD] =	sst s8  }
0x11: {  	[smem:$0x3FAE] =	sst s9;
	s0 =	simm.s32 @!p0 $0x0  }
0x12: {  	s1 =	sld [smem:$0x3F94];
	s0 =	simm.s32 @p0 $0x1  }
0x13: {  	[smem:$0x3FAF] =	sst s0;
	s0 =	simm.s32 @!p1 $0x0  }
0x14: {  	s2 =	sld [smem:$0x3F93];
	s0 =	simm.s32 @p1 $0x1  }
0x15: {  	[smem:$0x3FB0] =	sst s0;
	s0 =	simm.s32 @!p2 $0x0  }
0x16: {  	s3 =	sld [smem:$0x3FDB];
	s0 =	simm.s32 @p2 $0x1  }
0x17: {  	s4 =	simm.s32 $0x1BF5;
	[smem:$0x3FB2] =	sst s0  }
0x18: {  	s0 =	sld [smem:$0x3F95];
	_ =	swait.ge [sflag:s4], $0x0  }
0x19: {  	s7 =	sld [smem:$0x3F96]  }
0x1a: {  	s8 =	sadd.s32 $0xFFFFE003, lr  }
0x1b: {  	s9 =	sadd.s32 $0xFFFFFEF7, lr;
	s5 =	simm.s32 $0xFFFFFFFF;
	p2 =	slt.u32 s8, $0xFFFFF086  }
0x1c: {  	p1 =	slt.u32 s9, $0xF7A;
	s5 =	simm.s32 @!p2 $0x0  }
0x1d: {  	s5 =	simm.s32 @p1 $0x1;
	p0 =	seq.s32 s7, s2  }
0x1e: {  	s7 =	smul.u32 @!p0 $0xF7A, s2;
	p2 =	seq.s32 @!p0 s5, $0x0  }
0x1f: {  	s9 =	smul.u32 $0xF7A, s1;
	s8 =	simm.s32 @!p0 $0x1BF5;
	p2 =	por !p2, p0  }
0x20: {  	[sflag:s8] =	ssyncset.s32 @!p0 $0xFFFFF086;
	s6 =	sadd.s32 @!p0 s3, s7;
	s7 =	simm.s32 @!p0 $0x108  }
0x21: {  	s3 =	sadd.s32 s3, s9;
	s6 =	sadd.s32 @!p0 $0x88, s6;
	s7 =	simm.s32 @p2 $0x1082  }
0x22: {  	[simem:s7], [sflag:s8] =	dma.local @!p0 [hbm:s6], $0xF7A  }
0x23: {  	s9 =	sor.u32 $0xD0000000, s2;
	s6 =	simm.s32 $0x108;
	_ =	swait.ge @!p0 [sflag:s8], $0x0  }
0x24: {  	s3 =	sadd.s32 $0x88, s3;
	s6 =	simm.s32 @!p1 $0x1082;
	[sflag:s4] =	ssyncset.s32 $0xFFFFF086  }
0x25: {  	[simem:s6], [sflag:s4] =	dma.local [hbm:s3], $0xF7A  }
0x26: {  	[smem:$0x3F96] =	sst s1;
	(tag) =	ssettag s2;
	_ =	strace s9  }
0x27: {  	s1 =	sld [smem:$0x3FA6]  }
0x28: {  	s2 =	sld [smem:$0x3FA7]  }
0x29: {  	s4 =	sld [smem:$0x3FA9]  }
0x2a: {  	p0 =	seq.s32 s5, $0x0;
	s5 =	sld [smem:$0x3FAA]  }
0x2b: {  	s6 =	sld [smem:$0x3FAB]  }
0x2c: {  	s7 =	sld [smem:$0x3FAC]  }
0x2d: {  	s3 =	simm.s32 $0x108;
	s8 =	sld [smem:$0x3FAD]  }
0x2e: {  	s3 =	simm.s32 @!p0 $0x1082;
	s9 =	sld [smem:$0x3FAE]  }
0x2f: {  	lr =	sadd.s32 s0, s3;
	s0 =	sld [smem:$0x3FA5]  }
0x30: {  	s3 =	sld [smem:$0x3FA8]  }
0x31: {  	[smem:$0x3FB1] =	sst s10  }
0x32: {  	s10 =	sld [smem:$0x3FAF];
	_ =	sdelay $0x3  }
0x33: {  	p0 =	seq.s32 s10, $0x1;
	s10 =	sld [smem:$0x3FB1];
	_ =	sdelay $0x3  }
0x34: {  	[smem:$0x3FB1] =	sst s10  }
0x35: {  	s10 =	sld [smem:$0x3FB0];
	_ =	sdelay $0x3  }
0x36: {  	p1 =	seq.s32 s10, $0x1;
	s10 =	sld [smem:$0x3FB1];
	_ =	sdelay $0x3  }
0x37: {  	[smem:$0x3FB1] =	sst s10  }
0x38: {  	s10 =	sld [smem:$0x3FB2]  }
0x39: {  	_ = 	snop;
	(pc) =	sbr.ind lr, $3  }
0x3a: {  	_ = 	snop  }
0x3b: {  	_ = 	snop  }
0x3c: {  	p2 =	seq.s32 s10, $0x1;
	s10 =	sld [smem:$0x3FB1]  }
0x3d: {  	_ =	shalt  }
0x3e: {  	_ =	shalt  }
0x3f: {  	_ =	shalt  }
0x40: {  	_ =	shalt  }
0x41: {  	_ =	shalt  }
0x42: {  	_ =	shalt  }
0x43: {  	_ =	shalt  }
0x44: {  	_ =	shalt  }
0x45: {  	_ =	shalt  }
0x46: {  	_ =	shalt  }
0x47: {  	_ =	shalt  }
0x48: {  	_ =	shalt  }
0x49: {  	_ =	shalt  }
0x4a: {  	_ =	shalt  }
0x4b: {  	_ =	shalt  }
0x4c: {  	_ =	shalt  }
0x4d: {  	_ =	shalt  }
0x4e: {  	_ =	shalt  }
0x4f: {  	_ =	shalt  }
0x50: {  	_ =	shalt  }
0x51: {  	_ =	shalt  }
0x52: {  	_ =	shalt  }
0x53: {  	_ =	shalt  }
0x54: {  	_ =	shalt  }
0x55: {  	_ =	shalt  }
0x56: {  	_ =	shalt  }
0x57: {  	_ =	shalt  }
0x58: {  	_ =	shalt  }
0x59: {  	_ =	shalt  }
0x5a: {  	_ =	shalt  }
0x5b: {  	_ =	shalt  }
0x5c: {  	_ =	shalt  }
0x5d: {  	_ =	shalt  }
0x5e: {  	_ =	shalt  }
0x5f: {  	_ =	shalt  }
0x60: {  	_ =	shalt  }
0x61: {  	_ =	shalt  }
0x62: {  	_ =	shalt  }
0x63: {  	_ =	shalt  }
0x64: {  	_ =	shalt  }
0x65: {  	_ =	shalt  }
0x66: {  	_ =	shalt  }
0x67: {  	_ =	shalt  }
0x68: {  	_ =	shalt  }
0x69: {  	_ =	shalt  }
0x6a: {  	_ =	shalt  }
0x6b: {  	_ =	shalt  }
0x6c: {  	_ =	shalt  }
0x6d: {  	_ =	shalt  }
0x6e: {  	_ =	shalt  }
0x6f: {  	_ =	shalt  }
0x70: {  	_ =	shalt  }
0x71: {  	_ =	shalt  }
0x72: {  	_ =	shalt  }
0x73: {  	_ =	shalt  }
0x74: {  	_ =	shalt  }
0x75: {  	_ =	shalt  }
0x76: {  	_ =	shalt  }
0x77: {  	_ =	shalt  }
0x78: {  	_ =	shalt  }
0x79: {  	_ =	shalt  }
0x7a: {  	_ =	shalt  }
0x7b: {  	_ =	shalt  }
0x7c: {  	_ =	shalt  }
0x7d: {  	_ =	shalt  }
0x7e: {  	_ =	shalt  }
0x7f: {  	_ =	shalt  }
0x80: {  	_ =	shalt  }
0x81: {  	_ =	shalt  }
0x82: {  	_ =	shalt  }
0x83: {  	_ =	shalt  }
0x84: {  	_ =	shalt  }
0x85: {  	_ =	shalt  }
0x86: {  	_ =	shalt  }
0x87: {  	_ =	shalt  }
.Lfunc_end0:
.L_simem_size_0:
called_computation_lowered:
.L_overlay_start_0:
0x88: {  	s2 =	sld [smem:$0x3FD9]  }
0x89: {  	s3 =	sld [smem:$0x3FFE];
	_ =	sdelay $0x1  }
0x8a: {  	s1 =	srdreg.scid  }
0x8b: {  	s0 =	sand.u32 $0x1, s1  }
0x8c: {  	s17 =	sshll.u32 s0, $0xA;
	s2 =	sadd.s32 s3, s2  }
0x8d: {  	s2 =	sadd.s32 s2, s17  }
0x8e: {  	[smem:$0x3FBD] =	sst s2  }
0x8f: {  	_ = 	snop  }
0x90: {  	s2 =	sld [smem:$0x3FC7]  }
0x91: {  	s18 =	sld [smem:$0x3FD0];
	(tm) =	ssettm $0x1  }
0x92: {  	s4 =	sld [smem:$0x3FFB];
	_ =	sdelay $0x3  }
0x93: {  	_ =	strace s4  }
0x94: {  	s4 =	sld [smem:$0x3FFC];
	_ =	sdelay $0x3  }
0x95: {  	_ =	strace s4  }
0x96: {  	s4 =	sld [smem:$0x3FFD];
	_ =	sdelay $0x3  }
0x97: {  	_ =	strace s4  }
0x98: {  	_ =	strace $0x8FFFFFFF  }
0x99: {  	s19 =	sld [smem:$0x3FDB];
	_ =	sdelay $0x1  }
0x9a: {  	s5 =	simm.s32 $_scs_section_size  }
0x9b: {  	s6 =	simm.s32 $_size__tile_overlayer_lowered;
	s7 =	simm.s32 $_tile_overlayer_lowered  }
0x9c: {  	s22 =	simm.s32 $0x1BFF;
	s21 =	sshll.u32 s7, $0x1;
	s4 =	sadd.s32 s5, s19  }
0x9d: {  	s8 =	simm.s32 $0x0;
	s20 =	sshll.u32 s6, $0x1;
	s6 =	sadd.s32 s21, s4  }
0x9e: {  	[timem:s8], [sflag:s22] =	dma.local [hbm:s6], s20  }
0x9f: {  	_ =	swait.ge [sflag:s22], s20  }
0xa0: {  	s5 =	ssub.s32 $0x0, s20;
	[sflag:s22] =	ssyncset.done $0x0  }
0xa1: {  	[sflag:s22] =	ssyncadd.s32 s5;
	_ =	sdelay $0x1  }
0xa2: {  	s23 =	simm.s32 $0x1B8B  }
0xa3: {  	_ =	swait.ge [sflag:s23], $0x1  }
0xa4: {  	[sflag:s23] =	ssyncset.done $0x0  }
0xa5: {  	s25 =	simm.s32 $0x1B8E;
	s24 =	sld [smem:$0x3FFE];
	[sflag:s23] =	ssyncadd.s32 $0xFFFFFFFF  }
0xa6: {  	s26 =	simm.s32 $execute0_lowered;
	[smem:$0x3FD2] =	sst s25  }
0xa7: {  	s6 =	sshll.u32 s26, $0x1;
	_ =	strace $0x80000046;
	[dreg:$0x1] =	wrdreg $0xFFFFFFFF  }
0xa8: {  	s28 =	simm.s32 $_size_execute0_lowered;
	s4 =	sadd.s32 s4, s6;
	[dreg:$0x0] =	wrdreg $0x0  }
0xa9: {  	s6 =	sshll.u32 s28, $0x1;
	[dreg:$0x2] =	wrdreg s4  }
0xaa: {  	[dreg:$0x3] =	wrdreg s6  }
0xab: {  	[dreg:$0x4] =	wrdreg $0xC0  }
0xac: {  	_ =	task [dreg:s8], $0x5FFFF  }
0xad: {  	[dreg:$0x1] =	wrdreg $0xFFFFFFFF  }
0xae: {  	[dreg:$0x0] =	wrdreg $0x60  }
0xaf: {  	[dreg:$0x2] =	wrdreg s2  }
0xb0: {  	[dreg:$0x3] =	wrdreg s18  }
0xb1: {  	[dreg:$0x4] =	wrdreg s24  }
0xb2: {  	[dreg:$0x5] =	wrdreg $0x9  }
0xb3: {  	_ =	task.clear_ibuf [dreg:s8], $0x6FFFF;
	_ =	strace $0x90000046  }
0xb4: {  	s29 =	simm.s32 $0x9;
	_ =	strace $0x80000048  }
0xb5: {  	_ =	swait.ge [sflag:s29], $0x1  }
0xb6: {  	[sflag:s29] =	ssyncadd.s32 $0xFFFFFFFF  }
0xb7: {  	_ =	strace $0x90000048  }
0xb8: {  	_ =	sfence  }
0xb9: {  	s30 =	sld [smem:$0x0];
	_ =	sdelay $0x2  }
0xba: {  	s31 =	sshll.u32 s1, $0xD;
	s1 =	sshrl.u32 s1, $0x2  }
0xbb: {  	s3 =	sand.u32 $0x4000, s31;
	s1 =	sadd.s32 s1, s30  }
0xbc: {  	s0 =	sor.u32 s3, s0;
	s1 =	sshll.u32 s1, $0x11  }
0xbd: {  	s0 =	sor.u32 s1, s0  }
0xbe: {  	s0 =	sadd.s32 $0x8F2B, s0  }
0xbf: {  	[sflag:s0] =	ssyncadd.remote.s32 $0x1  }
0xc0: {  	_ =	sfence.sel $0xFFFF  }
0xc1: {  	[dreg:$0x0] =	wrdreg $0xFFFFFFFF;
	(pc) =	sbr.abs _section_cstart, $3  }
0xc2: {  	[dreg:$0x1] =	wrdreg $0xFFFFFFFF  }
0xc3: {  	_ =	task.clear_ibuf [dreg:s8], $0x2FFFF;
	_ =	strace $0x9FFFFFFF  }
0xc4: {  	(tm) =	ssettm $0x7FFFFFFF  }
0xc5: {  	_ =	shalt  }
tec
execute0_lowered:
.L_overlay_start_1:
0x0: {  	(tag) =	ssettag $0x1  }
0x1: {  	s2 =	rddreg [dreg:$0x0]  }
0x2: {  	s1 =	srdreg.scid;
	s3 =	rddreg [dreg:$0x1]  }
0x3: {  	s0 =	stileid.u32;
	s5 =	rddreg [dreg:$0x2]  }
0x4: {  	s9 =	simm.s32 $0x1;
	s10 =	simm.s32 $0x3;
	s1 =	sshll.u32 s1, $0x6  }
0x5: {  	s13 =	simm.s32 $0x0;
	s4 =	sshll.u32 s0, $0x7;
	s6 =	sand.u32 $0x40, s1  }
0x6: {  	s12 =	simm.s32 $0x0;
	s5 =	sadd.s32 $0x1200, s5;
	s4 =	sor.u32 s4, s6  }
0x7: {  	s1 =	rddreg [dreg:$0x3];
	_ =	strace $0x80000047;
	s8 =	ssub.s32 $0x1000, s4  }
.Ltmp0:
0x8: {  	s6 =	simm.s32 $0x1;
	s7 =	sand.u32 $0x7C0, s8;
	(pc) =	sbr.rel .LBB2_1-.Ltmp0, $4  }
0x9: {  	[sflag:s6] =	ssyncpa.u1 $0x0;
	s11 =	smov.u32 s4;
	p0 =	sne.s32 s7, $0x0  }
0xa: {  	s8 =	sshrl.u32 s8, $0xB;
	s7 =	simm.s32 $0x2;
	s9 =	simm.s32 @!p0 $0x0  }
0xb: {  	[sflag:s7] =	ssyncpa.u1 $0x0;
	p0 =	por $0x0, $0x0;
	s8 =	sadd.s32 s9, s8  }
0xc: {  	vm0 =	vmmov $0xffff;
	[sflag:s10] =	ssyncpa.u1 $0x0;
	s10 =	simm.s32 $0x0;
	s9 =	sadd.s32 $0x1, s8  }
.LBB2_4:
0xd: {  	vm1 =	veq.s32 v0, $0x80000000;
	v63 =	vand.u32 $0xFFF, v0;
	v2 =	vand.u32 $0xFFF, v2  }
0xe: {  	v0 =	vsel vm1, $0xFFFFFFFF, v63;
	v2 =	vsel vm1, $0xFFFFFFFF, v2  }
0xf: {  	v3 =	vshll.u32 v0, $0xC;
	v4 =	vshll.u32 v2, $0x3  }
0x10: {  	v0 =	vshll.u32 v0, $0x7;
	v3 =	vand.u32 $0xFFFF8000, v3;
	v4 =	vand.u32 $0xFFFFFC00, v4  }
0x11: {  	v0 =	vand.u32 $0x380, v0;
	v3 =	vadd.s32 v3, v4  }
0x12: {  	v2 =	vand.u32 $0x7F, v2;
	v0 =	vor.u32 v0, v3  }
0x13: {  	v0 =	vor.u32 v2, v0;
	_ =	sdelay $0x1  }
0x14: {  	(ifvalue) =	ssetifvalue $0x7FFFFFFF;
	s14 =	sadd.s32 $0x10, s14  }
0x15: {  	[tilespmem:s14], [sflag:$0x1] =	stream.indirect_vreg.gather [hbm4b:s2+s10], $0x1, v1, vm0, $0x4038;
	[tilespmem:$0x100] =	vst v63  }
0x16: {  	(ifvalue) =	ssetifvalue $0x7FFFFFFF;
	s14 =	sadd.s32 $0x10, s14  }
0x17: {  	[tilespmem:s14], [sflag:$0x1] =	stream.indirect_vreg.gather [hbm4b:s2+s10], $0x1, v0, vm0, $0x4038;
	[tilespmem:$0x100] =	vst v63  }
0x18: {  	_ =	swait.ge [sflag:s6], $0x40  }
0x19: {  	s30 =	sshrl.u32 s13, $0x3;
	[sflag:s6] =	ssyncset.done $0x0  }
0x1a: {  	s31 =	sand.u32 $0x7, s13;
	s14 =	sadd.s32 s5, s30;
	[sflag:s6] =	ssyncadd.s32 $0xFFFFFFC0  }
0x1b: {  	[hbm4b:s14+s31] =	stream.linear.scatter [tilespmem:s15], [sflag:$0x3], $0x40, $0x38;
	[tilespmem:$0x100] =	vst v63  }
.LBB2_5:
0x1c: {  	s15 =	sadd.s32 $0x800, s11  }
0x1d: {  	p2 =	sgt.s32 s15, $0xFFF  }
0x1e: {  	s15 =	smov.u32 @p2 s4;
	p2 =	sne.s32 s12, s9  }
.Ltmp1:
0x1f: {  	p1 =	slt.u32 s12, $0x2;
	(pc) =	sbr.rel @!p2 .LBB2_6-.Ltmp1, $4  }
0x20: {  	s14 =	simm.s32 @!p1 $0x3  }
0x21: {  	s16 =	sadd.s32 $0x1, s12;
	_ =	swait.ge @!p1 [sflag:s14], $0x40  }
0x22: {  	s13 =	smov.u32 s11;
	p0 =	por !p0, !p0;
	[sflag:s14] =	ssyncset.done @!p1 $0x0  }
0x23: {  	s12 =	smov.u32 s16;
	s11 =	smov.u32 s15;
	[sflag:s14] =	ssyncadd.s32 @!p1 $0xFFFFFFC0  }
.LBB2_1:
0x24: {  	p1 =	sge.u32 s12, s8  }
0x25: {  	s14 =	sxor.u32 @!p1 $0xFFFFFFFF, s12  }
0x26: {  	s31 =	sadd.s32 $0xFFFFFFFF, s12;
	s15 =	sshrl.u32 @!p1 s11, $0x3;
	s14 =	sshll.u32 @!p1 s14, $0x6  }
0x27: {  	s16 =	sand.u32 @!p1 $0x7, s11;
	s15 =	sadd.s32 @!p1 s3, s15;
	s14 =	sand.u32 @!p1 $0x40, s14  }
0x28: {  	[tilespmem:s14], [sflag:$0x2] =	stream.linear.gather @!p1 [hbm4b:s15+s16], $0x40, $0x38;
	[tilespmem:$0x100] =	vst v63  }
0x29: {  	p1 =	sge.u32 s31, s8  }
.Ltmp2:
0x2a: {  	_ = 	snop;
	(pc) =	sbr.rel @p1 .LBB2_5-.Ltmp2, $1  }
0x2b: {  	_ =	sdelay $0x3  }
0x2c: {  	s14 =	simm.s32 $0x1  }
0x2d: {  	_ =	swait.ge [sflag:s7], $0x40;
	s14 =	simm.s32 @!p0 $0x0  }
0x2e: {  	[sflag:s7] =	ssyncset.done $0x0;
	s14 =	sshll.u32 s14, $0x6  }
0x2f: {  	[sflag:s7] =	ssyncadd.s32 $0xFFFFFFC0;
	(ifvalue) =	ssetifvalue $0x7FFFFFFF;
	v0 =	vld.msk [tilespmem:s14+$0x0 ss:$0x1], $0xffff;
	_ =	sdelay $0x3  }
0x30: {  	s15 =	sadd.s32 $0x10, s14  }
0x31: {  	v2 =	vld.msk [tilespmem:s15+$0x0 ss:$0x1], $0xffff;
	v1 =	vshrl.u32 v0, $0xC  }
0x32: {  	vm1 =	veq.s32 v0, $0x80000000;
	v0 =	vand.u32 $0xFFF, v0;
	v1 =	vand.u32 $0xFFF, v1  }
0x33: {  	v0 =	vsel vm1, $0xFFFFFFFF, v0;
	v1 =	vsel vm1, $0xFFFFFFFF, v1  }
0x34: {  	v3 =	vshll.u32 v0, $0xC;
	v4 =	vshll.u32 v1, $0x3  }
0x35: {  	v0 =	vshll.u32 v0, $0x7;
	v3 =	vand.u32 $0xFFFF8000, v3;
	v4 =	vand.u32 $0xFFFFFC00, v4  }
0x36: {  	vm1 =	veq.s32 v2, $0x80000000;
	v0 =	vand.u32 $0x380, v0;
	v3 =	vadd.s32 v3, v4  }
0x37: {  	v1 =	vand.u32 $0x7F, v1;
	v0 =	vor.u32 v0, v3;
	v3 =	vshrl.u32 v2, $0xC  }
0x38: {  	s17 =	sadd.s32 $0x10, s15;
	v2 =	vand.u32 $0xFFF, v2;
	v1 =	vor.u32 v1, v0;
	v3 =	vand.u32 $0xFFF, v3  }
0x39: {  	v0 =	vld.msk [tilespmem:s17+$0x0 ss:$0x1], $0xffff;
	v2 =	vsel vm1, $0xFFFFFFFF, v2;
	v3 =	vsel vm1, $0xFFFFFFFF, v3  }
0x3a: {  	v63 =	vshll.u32 v2, $0xC;
	v5 =	vshll.u32 v3, $0x3  }
0x3b: {  	s31 =	sshll.u32 s12, $0x6;
	v2 =	vshll.u32 v2, $0x7;
	v4 =	vand.u32 $0xFFFF8000, v63;
	v5 =	vand.u32 $0xFFFFFC00, v5  }
0x3c: {  	s14 =	sor.u32 $0x80, s14;
	s15 =	sand.u32 $0x40, s31;
	(ifvalue) =	ssetifvalue $0x7FFFFFFF;
	v2 =	vand.u32 $0x380, v2;
	v4 =	vadd.s32 v4, v5  }
0x3d: {  	[tilespmem:s14], [sflag:$0x1] =	stream.indirect_vreg.gather [hbm4b:s2+s10], $0x1, v1, vm0, $0x4038;
	v1 =	vand.u32 $0x7F, v3;
	v3 =	vor.u32 v2, v4;
	[tilespmem:$0x100] =	vst v63  }
0x3e: {  	s16 =	simm.s32 $0x20;
	s15 =	sor.u32 $0x80, s15;
	s17 =	sadd.s32 $0x10, s17;
	v2 =	vshrl.u32 v0, $0xC;
	v1 =	vor.u32 v1, v3  }
.LBB2_3:
0x3f: {  	s16 =	sadd.s32 $0x10, s16;
	vm1 =	veq.s32 v0, $0x80000000;
	v3 =	vand.u32 $0xFFF, v0;
	v0 =	vld.msk [tilespmem:s17+$0x0 ss:$0x1], $0xffff;
	v2 =	vand.u32 $0xFFF, v2  }
0x40: {  	p1 =	slt.u32 s16, $0x30;
	v3 =	vsel vm1, $0xFFFFFFFF, v3;
	v2 =	vsel vm1, $0xFFFFFFFF, v2  }
.Ltmp3:
0x41: {  	v4 =	vshll.u32 v3, $0xC;
	v5 =	vshll.u32 v2, $0x3;
	(pc) =	sbr.rel @p1 .LBB2_3-.Ltmp3, $4  }
0x42: {  	s14 =	sadd.s32 $0x10, s14;
	v3 =	vshll.u32 v3, $0x7;
	v4 =	vand.u32 $0xFFFF8000, v4;
	v5 =	vand.u32 $0xFFFFFC00, v5;
	(ifvalue) =	ssetifvalue $0x7FFFFFFF  }
0x43: {  	v3 =	vand.u32 $0x380, v3;
	v4 =	vadd.s32 v4, v5;
	[tilespmem:s14], [sflag:$0x1] =	stream.indirect_vreg.gather [hbm4b:s2+s10], $0x1, v1, vm0, $0x4038;
	[tilespmem:$0x100] =	vst v63  }
0x44: {  	v1 =	vand.u32 $0x7F, v2;
	v3 =	vor.u32 v3, v4  }
0x45: {  	s17 =	sadd.s32 $0x10, s17;
	v2 =	vshrl.u32 v0, $0xC;
	v1 =	vor.u32 v1, v3  }
.Ltmp4:
0x46: {  	_ = 	snop;
	(pc) =	sbr.rel .LBB2_4-.Ltmp4, $1  }
0x47: {  	_ =	sdelay $0x3  }
.LBB2_6:
0x48: {  	_ =	sfence.sel $0x180000  }
0x49: {  	s2 =	simm.s32 $0x2;
	[bflag:$0x0] =	sbarrier.arrive $0xFFFF  }
0x4a: {  	s30 =	simm.s32 $0x3;
	[sflag:s2] =	ssyncpa.u1 $0x1  }
0x4b: {  	s31 =	simm.s32 $0x1;
	[sflag:s30] =	ssyncpa.u1 $0x1  }
0x4c: {  	[sflag:s31] =	ssyncpa.u1 $0x1  }
0x4d: {  	p0 =	sne.s32 s0, $0x0;
	_ =	strace $0x90000047  }
0x4e: {  	s0 =	sadd.s32 @!p0 $0x100000, s1;
	[bflag:$0x2] =	sbarrier.arrive $0xFFFF  }
0x4f: {  	[sflag:s0] =	ssyncadd.tile.s32 @!p0 $0x1;
	_ =	shalt  }
.Lfunc_end2:
_tile_overlayer_lowered:
.L_overlay_start_2:
0x50: {  	(tag) =	ssettag $0x2  }
0x51: {  	s0 =	rddreg [dreg:$0x0];
	s2 =	stileid.u32  }
0x52: {  	s1 =	rddreg [dreg:$0x1];
	p0 =	sne.s32 s2, $0x0  }
0x53: {  	s3 =	rddreg [dreg:$0x2];
	[bflag:$0x3] =	sbarrier.arrive $0xFFFF;
	s2 =	simm.s32 @!p0 $0x1C01  }
0x54: {  	[timem:s3], [sflag:s2] =	dma.local @!p0 [hbm:s0], s1  }
0x55: {  	s0 =	simm.s32 @!p0 $0x1  }
0x56: {  	_ =	swait.ge @!p0 [sflag:s0], s1  }
0x57: {  	s1 =	ssub.s32 @!p0 $0x0, s1;
	[sflag:s0] =	ssyncset.done @!p0 $0x0  }
0x58: {  	[sflag:s0] =	ssyncadd.s32 @!p0 s1  }
0x59: {  	[bflag:$0x3] =	sbarrier.arrive $0xFFFF  }
0x5a: {  	_ =	shalt  }

</sc_bundles>
